<compile_context>
chip_gen: v7x
topology: tpu7x:2x2x1
jax: 0.10.2.dev20260603
libtpu: 0.0.44.dev20260713+nightly
codegen_flags: <defaults>
</compile_context>

<pallas_src>
import functools

import jax
import jax.numpy as jnp
from jax import lax
from jax.experimental import pallas as pl
from jax.experimental.pallas import tpu as pltpu
from jax.experimental.pallas import tpu_sc as plsc

_B = 16384
_ZD = 128
_NC, _NS = 2, 16
_NW = _NC * _NS
_BPW = _B // _NW
_CH = 128
_NCH = _BPW // _CH


def _sc_gather(ztab, iz):
    mesh = plsc.VectorSubcoreMesh(core_axis_name="c", subcore_axis_name="s")

    @functools.partial(
        pl.kernel, mesh=mesh,
        out_type=jax.ShapeDtypeStruct((_B, _ZD), jnp.float32),
        scratch_types=[
            pltpu.VMEM((_NCH, _CH), jnp.int32),
            pltpu.VMEM((_BPW, _ZD), jnp.float32),
            [pltpu.SemaphoreType.DMA] * _NCH,
            pltpu.SemaphoreType.DMA,
        ])
    def k(ztab_h, iz_h, zo_h, ziv, zrows, gsems, wsem):
        wid = lax.axis_index("s") * _NC + lax.axis_index("c")
        base = wid * _BPW
        pltpu.sync_copy(iz_h.at[pl.ds(wid * _NCH, _NCH)], ziv)
        handles = [
            pltpu.async_copy(ztab_h.at[ziv.at[j]],
                             zrows.at[pl.ds(j * _CH, _CH)], gsems[j])
            for j in range(_NCH)
        ]
        for j in range(_NCH):
            handles[j].wait()
            pltpu.async_copy(zrows.at[pl.ds(j * _CH, _CH)],
                             zo_h.at[pl.ds(base + j * _CH, _CH)], wsem)
        for j in range(_NCH):
            pltpu.make_async_copy(
                zrows.at[pl.ds(j * _CH, _CH)],
                zo_h.at[pl.ds(base + j * _CH, _CH)], wsem).wait()

    return k(ztab, iz)


_TB = 4096


def _mlp_body(z_ref, ip_ref, it_ref, w1z, pttab, w1pt, b1r, w2, b2r, w3,
              b3r, o_ref):
    dot = functools.partial(jnp.dot, preferred_element_type=jnp.float32,
                            precision=lax.Precision.DEFAULT)
    iota32 = lax.broadcasted_iota(jnp.int32, (32, 1), 0)
    sel = jnp.where(iota32 < 16, ip_ref[0], it_ref[0] + 16)
    one_ptt = (sel == iota32).astype(jnp.float32)
    acc = dot(z_ref[...], w1z[...])
    acc += lax.dot_general(one_ptt, dot(pttab[...], w1pt[...]),
                           (((0,), (0,)), ((), ())),
                           precision=lax.Precision.DEFAULT,
                           preferred_element_type=jnp.float32)
    h1 = jnp.maximum(acc + b1r[...], 0.0)
    h2 = jnp.maximum(dot(h1, w2[...]) + b2r[...], 0.0)
    o_ref[...] = dot(h2, w3[...]) + b3r[...]


def _tc_mlp(z, ip, it, w1z, pttab, w1pt, b1, w2, b2, w3, b3):
    grid = (_B // _TB,)
    batch_spec = lambda cols: pl.BlockSpec((_TB, cols), lambda i: (i, 0))
    idx_spec = pl.BlockSpec((1, 1, _TB), lambda i: (i, 0, 0))
    full = lambda a: pl.BlockSpec(a.shape, lambda i: (0, 0))
    return pl.pallas_call(
        _mlp_body,
        grid=grid,
        in_specs=[batch_spec(_ZD), idx_spec, idx_spec,
                  full(w1z), full(pttab), full(w1pt),
                  full(b1), full(w2), full(b2), full(w3), full(b3)],
        out_specs=batch_spec(64),
        out_shape=jax.ShapeDtypeStruct((_B, 64), jnp.float32),
    )(z, ip, it, w1z, pttab, w1pt, b1, w2, b2, w3, b3)


def kernel(zip_code_id, project_type_id, trade_needed_id, zip_emb, pt_emb,
           tr_emb, W1, b1, W2, b2, W3, b3):
    ztab = jnp.pad(zip_emb, ((0, 0), (0, _ZD - 24)))
    iz = zip_code_id.astype(jnp.int32).reshape(_B // _CH, _CH)
    z = _sc_gather(ztab, iz)
    ip = project_type_id.astype(jnp.int32).reshape(_B // _TB, 1, _TB)
    it = trade_needed_id.astype(jnp.int32).reshape(_B // _TB, 1, _TB)
    w1z = jnp.pad(W1[0:24], ((0, _ZD - 24), (0, 0)))
    pttab = jnp.zeros((32, 28), jnp.float32)
    pttab = pttab.at[0:9, 0:12].set(pt_emb).at[16:27, 12:28].set(tr_emb)
    w1pt = W1[24:52]
    return _tc_mlp(z, ip, it, w1z, pttab, w1pt,
                   b1.reshape(1, 512), W2, b2.reshape(1, 128), W3,
                   b3.reshape(1, 64))

# --- scband reference (transcript-rebuilt; emitter-appended) ---
"""Pipeline reference for scband-project-tower-34359739197 (READ-ONLY COPY).

The authoritative reference and input builder live on the scoring server;
editing this copy changes nothing except your own understanding.
"""

import jax, jax.numpy as jnp
import numpy as np

ZIP_V, ZIP_D = 501, 24
PT_V, PT_D = 9, 12
TR_V, TR_D = 11, 16
B = 16384
CONCAT = ZIP_D + PT_D + TR_D


def setup_inputs(seed: int = 0) -> dict:
    key = jax.random.key(seed)
    ks = jax.random.split(key, 12)
    zip_code_id = jax.random.randint(ks[0], (B,), 0, ZIP_V)
    project_type_id = jax.random.randint(ks[1], (B,), 0, PT_V)
    trade_needed_id = jax.random.randint(ks[2], (B,), 0, TR_V)
    zip_emb = jax.random.normal(ks[3], (ZIP_V, ZIP_D), dtype=jnp.float32)
    pt_emb = jax.random.normal(ks[4], (PT_V, PT_D), dtype=jnp.float32)
    tr_emb = jax.random.normal(ks[5], (TR_V, TR_D), dtype=jnp.float32)
    W1 = jax.random.normal(ks[6], (CONCAT, 512), dtype=jnp.float32) * (1.0 / np.sqrt(CONCAT))
    b1 = jnp.zeros((512,), dtype=jnp.float32)
    W2 = jax.random.normal(ks[7], (512, 128), dtype=jnp.float32) * (1.0 / np.sqrt(512))
    b2 = jnp.zeros((128,), dtype=jnp.float32)
    W3 = jax.random.normal(ks[8], (128, 64), dtype=jnp.float32) * (1.0 / np.sqrt(128))
    b3 = jnp.zeros((64,), dtype=jnp.float32)
    return {"zip_code_id": zip_code_id, "project_type_id": project_type_id, "trade_needed_id": trade_needed_id,
            "zip_emb": zip_emb, "pt_emb": pt_emb, "tr_emb": tr_emb,
            "W1": W1, "b1": b1, "W2": W2, "b2": b2, "W3": W3, "b3": b3}


def reference(zip_code_id, project_type_id, trade_needed_id, zip_emb, pt_emb, tr_emb, W1, b1, W2, b2, W3, b3):
    z = jnp.take(zip_emb, zip_code_id, axis=0)
    p = jnp.take(pt_emb, project_type_id, axis=0)
    t = jnp.take(tr_emb, trade_needed_id, axis=0)
    x = jnp.concatenate([z, p, t], axis=1)
    h = jax.nn.relu(x @ W1 + b1)
    h = jax.nn.relu(h @ W2 + b2)
    out = h @ W3 + b3
    return out

if __name__ == "__main__":
    import jax
    _d = setup_inputs()
    print(jax.jit(kernel)(*tuple(_d.values())))

</pallas_src>

<mosaic_0001>
#map = affine_map<(d0, d1) -> (0, 0)>
module attributes {stable_mosaic.version = 14 : i64} {
  func.func @k(%arg0: i32, %arg1: i32, %arg2: memref<501x128xf32, #tpu.memory_space<hbm>>, %arg3: memref<128x128xi32, #tpu.memory_space<hbm>>, %arg4: memref<16384x128xf32, #tpu.memory_space<hbm>>, %arg5: memref<4x128xi32, #tpu.memory_space<vmem>>, %arg6: memref<512x128xf32, #tpu.memory_space<vmem>>, %arg7: memref<!tpu.dma_semaphore, #tpu.memory_space<semaphore_mem>>, %arg8: memref<!tpu.dma_semaphore, #tpu.memory_space<semaphore_mem>>, %arg9: memref<!tpu.dma_semaphore, #tpu.memory_space<semaphore_mem>>, %arg10: memref<!tpu.dma_semaphore, #tpu.memory_space<semaphore_mem>>, %arg11: memref<!tpu.dma_semaphore, #tpu.memory_space<semaphore_mem>>) attributes {dimension_semantics = [#tpu.dimension_semantics<core_parallel>, #tpu.dimension_semantics<subcore_parallel>], iteration_bounds = array<i64: 2, 16>, scalar_prefetch = 0 : i64, scratch_operands = 7 : i64, tpu.core_type = #tpu.core_type<sc_vector_subcore>, window_params = [{transform_indices = #map}, {transform_indices = #map}, {transform_indices = #map}]} {
    %mul3A = arith.constant 2 : i32
    %mul3A_0 = arith.muli %arg1, %mul3A : i32
    %add3A = arith.addi %mul3A_0, %arg0 : i32
    %mul3A_1 = arith.constant 512 : i32
    %mul3A_2 = arith.muli %add3A, %mul3A_1 : i32
    %mul3A_3 = arith.constant 4 : i32
    %mul3A_4 = arith.muli %add3A, %mul3A_3 : i32
    "tpu.region"() ({
      %run_scoped3A = tpu.sem_alloc : memref<!tpu.dma_semaphore, #tpu.memory_space<semaphore_mem>>
      %dma_start3A_179 = arith.constant 0 : i32
      %dma_start3A_180 = tpu.memref_slice %arg3[%mul3A_4, %dma_start3A_179] : memref<128x128xi32, #tpu.memory_space<hbm>> -> memref<4x128xi32, #tpu.memory_space<hbm>>
      %dma_start3A_181 = arith.constant 0 : i32
      %dma_start3A_182 = tpu.memref_slice %arg3[%mul3A_4, %dma_start3A_181] : memref<128x128xi32, #tpu.memory_space<hbm>> -> memref<4x128xi32, #tpu.memory_space<hbm>>
      tpu.enqueue_dma source(%dma_start3A_182 : memref<4x128xi32, #tpu.memory_space<hbm>>) target(%arg5 : memref<4x128xi32, #tpu.memory_space<vmem>>) target_semaphore(%run_scoped3A : memref<!tpu.dma_semaphore, #tpu.memory_space<semaphore_mem>>)
      %dma_wait3A_183 = arith.constant 0 : i32
      %dma_wait3A_184 = tpu.memref_slice %arg3[%mul3A_4, %dma_wait3A_183] : memref<128x128xi32, #tpu.memory_space<hbm>> -> memref<4x128xi32, #tpu.memory_space<hbm>>
      %dma_wait3A_185 = arith.constant 0 : i32
      %dma_wait3A_186 = tpu.memref_slice %arg3[%mul3A_4, %dma_wait3A_185] : memref<128x128xi32, #tpu.memory_space<hbm>> -> memref<4x128xi32, #tpu.memory_space<hbm>>
      tpu.wait_dma2 semaphore(%run_scoped3A : memref<!tpu.dma_semaphore, #tpu.memory_space<semaphore_mem>>) src(%dma_wait3A_186 : memref<4x128xi32, #tpu.memory_space<hbm>>) dst(%arg5 : memref<4x128xi32, #tpu.memory_space<vmem>>)
      tpu.yield
    }) : () -> ()
    %dma_start3A = arith.constant 0 : i32
    %dma_start3A_5 = arith.constant 0 : i32
    %dma_start3A_6 = arith.constant 0 : i32
    %dma_start3A_7 = tpu.memref_slice %arg6[%dma_start3A_5, %dma_start3A_6] : memref<512x128xf32, #tpu.memory_space<vmem>> -> memref<128x128xf32, #tpu.memory_space<vmem>>
    %dma_start3A_8 = arith.constant 0 : i32
    %dma_start3A_9 = tpu.memref_slice %arg5[%dma_start3A, %dma_start3A_8] : memref<4x128xi32, #tpu.memory_space<vmem>> -> memref<1x128xi32, #tpu.memory_space<vmem>>
    %dma_start3A_10 = tpu.memref_squeeze %dma_start3A_9 : memref<1x128xi32, #tpu.memory_space<vmem>> -> memref<128xi32, #tpu.memory_space<vmem>>
    %dma_start3A_11 = arith.constant 0 : i32
    %dma_start3A_12 = arith.constant 0 : i32
    %dma_start3A_13 = tpu.memref_slice %arg2[%dma_start3A_11, %dma_start3A_12] : memref<501x128xf32, #tpu.memory_space<hbm>> -> memref<501x128xf32, #tpu.memory_space<hbm>>
    tpu.enqueue_indirect_dma source(%dma_start3A_13 : memref<501x128xf32, #tpu.memory_space<hbm>>) target(%dma_start3A_7 : memref<128x128xf32, #tpu.memory_space<vmem>>) offsets(%dma_start3A_10 : memref<128xi32, #tpu.memory_space<vmem>>) semaphore(%arg7 : memref<!tpu.dma_semaphore, #tpu.memory_space<semaphore_mem>>)
    %dma_start3A_14 = arith.constant 1 : i32
    %dma_start3A_15 = arith.constant 128 : i32
    %dma_start3A_16 = arith.constant 0 : i32
    %dma_start3A_17 = tpu.memref_slice %arg6[%dma_start3A_15, %dma_start3A_16] : memref<512x128xf32, #tpu.memory_space<vmem>> -> memref<128x128xf32, #tpu.memory_space<vmem>>
    %dma_start3A_18 = arith.constant 0 : i32
    %dma_start3A_19 = tpu.memref_slice %arg5[%dma_start3A_14, %dma_start3A_18] : memref<4x128xi32, #tpu.memory_space<vmem>> -> memref<1x128xi32, #tpu.memory_space<vmem>>
    %dma_start3A_20 = tpu.memref_squeeze %dma_start3A_19 : memref<1x128xi32, #tpu.memory_space<vmem>> -> memref<128xi32, #tpu.memory_space<vmem>>
    %dma_start3A_21 = arith.constant 0 : i32
    %dma_start3A_22 = arith.constant 0 : i32
    %dma_start3A_23 = tpu.memref_slice %arg2[%dma_start3A_21, %dma_start3A_22] : memref<501x128xf32, #tpu.memory_space<hbm>> -> memref<501x128xf32, #tpu.memory_space<hbm>>
    tpu.enqueue_indirect_dma source(%dma_start3A_23 : memref<501x128xf32, #tpu.memory_space<hbm>>) target(%dma_start3A_17 : memref<128x128xf32, #tpu.memory_space<vmem>>) offsets(%dma_start3A_20 : memref<128xi32, #tpu.memory_space<vmem>>) semaphore(%arg8 : memref<!tpu.dma_semaphore, #tpu.memory_space<semaphore_mem>>)
    %dma_start3A_24 = arith.constant 2 : i32
    %dma_start3A_25 = arith.constant 256 : i32
    %dma_start3A_26 = arith.constant 0 : i32
    %dma_start3A_27 = tpu.memref_slice %arg6[%dma_start3A_25, %dma_start3A_26] : memref<512x128xf32, #tpu.memory_space<vmem>> -> memref<128x128xf32, #tpu.memory_space<vmem>>
    %dma_start3A_28 = arith.constant 0 : i32
    %dma_start3A_29 = tpu.memref_slice %arg5[%dma_start3A_24, %dma_start3A_28] : memref<4x128xi32, #tpu.memory_space<vmem>> -> memref<1x128xi32, #tpu.memory_space<vmem>>
    %dma_start3A_30 = tpu.memref_squeeze %dma_start3A_29 : memref<1x128xi32, #tpu.memory_space<vmem>> -> memref<128xi32, #tpu.memory_space<vmem>>
    %dma_start3A_31 = arith.constant 0 : i32
    %dma_start3A_32 = arith.constant 0 : i32
    %dma_start3A_33 = tpu.memref_slice %arg2[%dma_start3A_31, %dma_start3A_32] : memref<501x128xf32, #tpu.memory_space<hbm>> -> memref<501x128xf32, #tpu.memory_space<hbm>>
    tpu.enqueue_indirect_dma source(%dma_start3A_33 : memref<501x128xf32, #tpu.memory_space<hbm>>) target(%dma_start3A_27 : memref<128x128xf32, #tpu.memory_space<vmem>>) offsets(%dma_start3A_30 : memref<128xi32, #tpu.memory_space<vmem>>) semaphore(%arg9 : memref<!tpu.dma_semaphore, #tpu.memory_space<semaphore_mem>>)
    %dma_start3A_34 = arith.constant 3 : i32
    %dma_start3A_35 = arith.constant 384 : i32
    %dma_start3A_36 = arith.constant 0 : i32
    %dma_start3A_37 = tpu.memref_slice %arg6[%dma_start3A_35, %dma_start3A_36] : memref<512x128xf32, #tpu.memory_space<vmem>> -> memref<128x128xf32, #tpu.memory_space<vmem>>
    %dma_start3A_38 = arith.constant 0 : i32
    %dma_start3A_39 = tpu.memref_slice %arg5[%dma_start3A_34, %dma_start3A_38] : memref<4x128xi32, #tpu.memory_space<vmem>> -> memref<1x128xi32, #tpu.memory_space<vmem>>
    %dma_start3A_40 = tpu.memref_squeeze %dma_start3A_39 : memref<1x128xi32, #tpu.memory_space<vmem>> -> memref<128xi32, #tpu.memory_space<vmem>>
    %dma_start3A_41 = arith.constant 0 : i32
    %dma_start3A_42 = arith.constant 0 : i32
    %dma_start3A_43 = tpu.memref_slice %arg2[%dma_start3A_41, %dma_start3A_42] : memref<501x128xf32, #tpu.memory_space<hbm>> -> memref<501x128xf32, #tpu.memory_space<hbm>>
    tpu.enqueue_indirect_dma source(%dma_start3A_43 : memref<501x128xf32, #tpu.memory_space<hbm>>) target(%dma_start3A_37 : memref<128x128xf32, #tpu.memory_space<vmem>>) offsets(%dma_start3A_40 : memref<128xi32, #tpu.memory_space<vmem>>) semaphore(%arg10 : memref<!tpu.dma_semaphore, #tpu.memory_space<semaphore_mem>>)
    %dma_wait3A = arith.constant 0 : i32
    %dma_wait3A_44 = arith.constant 0 : i32
    %dma_wait3A_45 = arith.constant 0 : i32
    %dma_wait3A_46 = tpu.memref_slice %arg6[%dma_wait3A_44, %dma_wait3A_45] : memref<512x128xf32, #tpu.memory_space<vmem>> -> memref<128x128xf32, #tpu.memory_space<vmem>>
    %dma_wait3A_47 = arith.constant 0 : i32
    %dma_wait3A_48 = tpu.memref_slice %arg5[%dma_wait3A, %dma_wait3A_47] : memref<4x128xi32, #tpu.memory_space<vmem>> -> memref<1x128xi32, #tpu.memory_space<vmem>>
    %dma_wait3A_49 = tpu.memref_squeeze %dma_wait3A_48 : memref<1x128xi32, #tpu.memory_space<vmem>> -> memref<128xi32, #tpu.memory_space<vmem>>
    %dma_wait3A_50 = arith.constant 0 : i32
    %dma_wait3A_51 = arith.constant 0 : i32
    %dma_wait3A_52 = tpu.memref_slice %arg2[%dma_wait3A_50, %dma_wait3A_51] : memref<501x128xf32, #tpu.memory_space<hbm>> -> memref<501x128xf32, #tpu.memory_space<hbm>>
    tpu.wait_indirect_dma semaphore(%arg7 : memref<!tpu.dma_semaphore, #tpu.memory_space<semaphore_mem>>) src(%dma_wait3A_52 : memref<501x128xf32, #tpu.memory_space<hbm>>) dst(%dma_wait3A_46 : memref<128x128xf32, #tpu.memory_space<vmem>>)
    %add3A_53 = arith.constant 0 : i32
    %add3A_54 = arith.addi %mul3A_2, %add3A_53 : i32
    %dma_start3A_55 = arith.constant 0 : i32
    %dma_start3A_56 = arith.constant 0 : i32
    %dma_start3A_57 = tpu.memref_slice %arg6[%dma_start3A_55, %dma_start3A_56] : memref<512x128xf32, #tpu.memory_space<vmem>> -> memref<128x128xf32, #tpu.memory_space<vmem>>
    %dma_start3A_58 = arith.constant 0 : i32
    %dma_start3A_59 = tpu.memref_slice %arg4[%add3A_54, %dma_start3A_58] : memref<16384x128xf32, #tpu.memory_space<hbm>> -> memref<128x128xf32, #tpu.memory_space<hbm>>
    %dma_start3A_60 = arith.constant 0 : i32
    %dma_start3A_61 = tpu.memref_slice %arg4[%add3A_54, %dma_start3A_60] : memref<16384x128xf32, #tpu.memory_space<hbm>> -> memref<128x128xf32, #tpu.memory_space<hbm>>
    %dma_start3A_62 = arith.constant 0 : i32
    %dma_start3A_63 = arith.constant 0 : i32
    %dma_start3A_64 = tpu.memref_slice %arg6[%dma_start3A_62, %dma_start3A_63] : memref<512x128xf32, #tpu.memory_space<vmem>> -> memref<128x128xf32, #tpu.memory_space<vmem>>
    tpu.enqueue_dma source(%dma_start3A_64 : memref<128x128xf32, #tpu.memory_space<vmem>>) target(%dma_start3A_61 : memref<128x128xf32, #tpu.memory_space<hbm>>) target_semaphore(%arg11 : memref<!tpu.dma_semaphore, #tpu.memory_space<semaphore_mem>>)
    %dma_wait3A_65 = arith.constant 1 : i32
    %dma_wait3A_66 = arith.constant 128 : i32
    %dma_wait3A_67 = arith.constant 0 : i32
    %dma_wait3A_68 = tpu.memref_slice %arg6[%dma_wait3A_66, %dma_wait3A_67] : memref<512x128xf32, #tpu.memory_space<vmem>> -> memref<128x128xf32, #tpu.memory_space<vmem>>
    %dma_wait3A_69 = arith.constant 0 : i32
    %dma_wait3A_70 = tpu.memref_slice %arg5[%dma_wait3A_65, %dma_wait3A_69] : memref<4x128xi32, #tpu.memory_space<vmem>> -> memref<1x128xi32, #tpu.memory_space<vmem>>
    %dma_wait3A_71 = tpu.memref_squeeze %dma_wait3A_70 : memref<1x128xi32, #tpu.memory_space<vmem>> -> memref<128xi32, #tpu.memory_space<vmem>>
    %dma_wait3A_72 = arith.constant 0 : i32
    %dma_wait3A_73 = arith.constant 0 : i32
    %dma_wait3A_74 = tpu.memref_slice %arg2[%dma_wait3A_72, %dma_wait3A_73] : memref<501x128xf32, #tpu.memory_space<hbm>> -> memref<501x128xf32, #tpu.memory_space<hbm>>
    tpu.wait_indirect_dma semaphore(%arg8 : memref<!tpu.dma_semaphore, #tpu.memory_space<semaphore_mem>>) src(%dma_wait3A_74 : memref<501x128xf32, #tpu.memory_space<hbm>>) dst(%dma_wait3A_68 : memref<128x128xf32, #tpu.memory_space<vmem>>)
    %add3A_75 = arith.constant 128 : i32
    %add3A_76 = arith.addi %mul3A_2, %add3A_75 : i32
    %dma_start3A_77 = arith.constant 128 : i32
    %dma_start3A_78 = arith.constant 0 : i32
    %dma_start3A_79 = tpu.memref_slice %arg6[%dma_start3A_77, %dma_start3A_78] : memref<512x128xf32, #tpu.memory_space<vmem>> -> memref<128x128xf32, #tpu.memory_space<vmem>>
    %dma_start3A_80 = arith.constant 0 : i32
    %dma_start3A_81 = tpu.memref_slice %arg4[%add3A_76, %dma_start3A_80] : memref<16384x128xf32, #tpu.memory_space<hbm>> -> memref<128x128xf32, #tpu.memory_space<hbm>>
    %dma_start3A_82 = arith.constant 0 : i32
    %dma_start3A_83 = tpu.memref_slice %arg4[%add3A_76, %dma_start3A_82] : memref<16384x128xf32, #tpu.memory_space<hbm>> -> memref<128x128xf32, #tpu.memory_space<hbm>>
    %dma_start3A_84 = arith.constant 128 : i32
    %dma_start3A_85 = arith.constant 0 : i32
    %dma_start3A_86 = tpu.memref_slice %arg6[%dma_start3A_84, %dma_start3A_85] : memref<512x128xf32, #tpu.memory_space<vmem>> -> memref<128x128xf32, #tpu.memory_space<vmem>>
    tpu.enqueue_dma source(%dma_start3A_86 : memref<128x128xf32, #tpu.memory_space<vmem>>) target(%dma_start3A_83 : memref<128x128xf32, #tpu.memory_space<hbm>>) target_semaphore(%arg11 : memref<!tpu.dma_semaphore, #tpu.memory_space<semaphore_mem>>)
    %dma_wait3A_87 = arith.constant 2 : i32
    %dma_wait3A_88 = arith.constant 256 : i32
    %dma_wait3A_89 = arith.constant 0 : i32
    %dma_wait3A_90 = tpu.memref_slice %arg6[%dma_wait3A_88, %dma_wait3A_89] : memref<512x128xf32, #tpu.memory_space<vmem>> -> memref<128x128xf32, #tpu.memory_space<vmem>>
    %dma_wait3A_91 = arith.constant 0 : i32
    %dma_wait3A_92 = tpu.memref_slice %arg5[%dma_wait3A_87, %dma_wait3A_91] : memref<4x128xi32, #tpu.memory_space<vmem>> -> memref<1x128xi32, #tpu.memory_space<vmem>>
    %dma_wait3A_93 = tpu.memref_squeeze %dma_wait3A_92 : memref<1x128xi32, #tpu.memory_space<vmem>> -> memref<128xi32, #tpu.memory_space<vmem>>
    %dma_wait3A_94 = arith.constant 0 : i32
    %dma_wait3A_95 = arith.constant 0 : i32
    %dma_wait3A_96 = tpu.memref_slice %arg2[%dma_wait3A_94, %dma_wait3A_95] : memref<501x128xf32, #tpu.memory_space<hbm>> -> memref<501x128xf32, #tpu.memory_space<hbm>>
    tpu.wait_indirect_dma semaphore(%arg9 : memref<!tpu.dma_semaphore, #tpu.memory_space<semaphore_mem>>) src(%dma_wait3A_96 : memref<501x128xf32, #tpu.memory_space<hbm>>) dst(%dma_wait3A_90 : memref<128x128xf32, #tpu.memory_space<vmem>>)
    %add3A_97 = arith.constant 256 : i32
    %add3A_98 = arith.addi %mul3A_2, %add3A_97 : i32
    %dma_start3A_99 = arith.constant 256 : i32
    %dma_start3A_100 = arith.constant 0 : i32
    %dma_start3A_101 = tpu.memref_slice %arg6[%dma_start3A_99, %dma_start3A_100] : memref<512x128xf32, #tpu.memory_space<vmem>> -> memref<128x128xf32, #tpu.memory_space<vmem>>
    %dma_start3A_102 = arith.constant 0 : i32
    %dma_start3A_103 = tpu.memref_slice %arg4[%add3A_98, %dma_start3A_102] : memref<16384x128xf32, #tpu.memory_space<hbm>> -> memref<128x128xf32, #tpu.memory_space<hbm>>
    %dma_start3A_104 = arith.constant 0 : i32
    %dma_start3A_105 = tpu.memref_slice %arg4[%add3A_98, %dma_start3A_104] : memref<16384x128xf32, #tpu.memory_space<hbm>> -> memref<128x128xf32, #tpu.memory_space<hbm>>
    %dma_start3A_106 = arith.constant 256 : i32
    %dma_start3A_107 = arith.constant 0 : i32
    %dma_start3A_108 = tpu.memref_slice %arg6[%dma_start3A_106, %dma_start3A_107] : memref<512x128xf32, #tpu.memory_space<vmem>> -> memref<128x128xf32, #tpu.memory_space<vmem>>
    tpu.enqueue_dma source(%dma_start3A_108 : memref<128x128xf32, #tpu.memory_space<vmem>>) target(%dma_start3A_105 : memref<128x128xf32, #tpu.memory_space<hbm>>) target_semaphore(%arg11 : memref<!tpu.dma_semaphore, #tpu.memory_space<semaphore_mem>>)
    %dma_wait3A_109 = arith.constant 3 : i32
    %dma_wait3A_110 = arith.constant 384 : i32
    %dma_wait3A_111 = arith.constant 0 : i32
    %dma_wait3A_112 = tpu.memref_slice %arg6[%dma_wait3A_110, %dma_wait3A_111] : memref<512x128xf32, #tpu.memory_space<vmem>> -> memref<128x128xf32, #tpu.memory_space<vmem>>
    %dma_wait3A_113 = arith.constant 0 : i32
    %dma_wait3A_114 = tpu.memref_slice %arg5[%dma_wait3A_109, %dma_wait3A_113] : memref<4x128xi32, #tpu.memory_space<vmem>> -> memref<1x128xi32, #tpu.memory_space<vmem>>
    %dma_wait3A_115 = tpu.memref_squeeze %dma_wait3A_114 : memref<1x128xi32, #tpu.memory_space<vmem>> -> memref<128xi32, #tpu.memory_space<vmem>>
    %dma_wait3A_116 = arith.constant 0 : i32
    %dma_wait3A_117 = arith.constant 0 : i32
    %dma_wait3A_118 = tpu.memref_slice %arg2[%dma_wait3A_116, %dma_wait3A_117] : memref<501x128xf32, #tpu.memory_space<hbm>> -> memref<501x128xf32, #tpu.memory_space<hbm>>
    tpu.wait_indirect_dma semaphore(%arg10 : memref<!tpu.dma_semaphore, #tpu.memory_space<semaphore_mem>>) src(%dma_wait3A_118 : memref<501x128xf32, #tpu.memory_space<hbm>>) dst(%dma_wait3A_112 : memref<128x128xf32, #tpu.memory_space<vmem>>)
    %add3A_119 = arith.constant 384 : i32
    %add3A_120 = arith.addi %mul3A_2, %add3A_119 : i32
    %dma_start3A_121 = arith.constant 384 : i32
    %dma_start3A_122 = arith.constant 0 : i32
    %dma_start3A_123 = tpu.memref_slice %arg6[%dma_start3A_121, %dma_start3A_122] : memref<512x128xf32, #tpu.memory_space<vmem>> -> memref<128x128xf32, #tpu.memory_space<vmem>>
    %dma_start3A_124 = arith.constant 0 : i32
    %dma_start3A_125 = tpu.memref_slice %arg4[%add3A_120, %dma_start3A_124] : memref<16384x128xf32, #tpu.memory_space<hbm>> -> memref<128x128xf32, #tpu.memory_space<hbm>>
    %dma_start3A_126 = arith.constant 0 : i32
    %dma_start3A_127 = tpu.memref_slice %arg4[%add3A_120, %dma_start3A_126] : memref<16384x128xf32, #tpu.memory_space<hbm>> -> memref<128x128xf32, #tpu.memory_space<hbm>>
    %dma_start3A_128 = arith.constant 384 : i32
    %dma_start3A_129 = arith.constant 0 : i32
    %dma_start3A_130 = tpu.memref_slice %arg6[%dma_start3A_128, %dma_start3A_129] : memref<512x128xf32, #tpu.memory_space<vmem>> -> memref<128x128xf32, #tpu.memory_space<vmem>>
    tpu.enqueue_dma source(%dma_start3A_130 : memref<128x128xf32, #tpu.memory_space<vmem>>) target(%dma_start3A_127 : memref<128x128xf32, #tpu.memory_space<hbm>>) target_semaphore(%arg11 : memref<!tpu.dma_semaphore, #tpu.memory_space<semaphore_mem>>)
    %add3A_131 = arith.constant 0 : i32
    %add3A_132 = arith.addi %mul3A_2, %add3A_131 : i32
    %dma_wait3A_133 = arith.constant 0 : i32
    %dma_wait3A_134 = arith.constant 0 : i32
    %dma_wait3A_135 = tpu.memref_slice %arg6[%dma_wait3A_133, %dma_wait3A_134] : memref<512x128xf32, #tpu.memory_space<vmem>> -> memref<128x128xf32, #tpu.memory_space<vmem>>
    %dma_wait3A_136 = arith.constant 0 : i32
    %dma_wait3A_137 = tpu.memref_slice %arg4[%add3A_132, %dma_wait3A_136] : memref<16384x128xf32, #tpu.memory_space<hbm>> -> memref<128x128xf32, #tpu.memory_space<hbm>>
    %dma_wait3A_138 = arith.constant 0 : i32
    %dma_wait3A_139 = tpu.memref_slice %arg4[%add3A_132, %dma_wait3A_138] : memref<16384x128xf32, #tpu.memory_space<hbm>> -> memref<128x128xf32, #tpu.memory_space<hbm>>
    %dma_wait3A_140 = arith.constant 0 : i32
    %dma_wait3A_141 = arith.constant 0 : i32
    %dma_wait3A_142 = tpu.memref_slice %arg6[%dma_wait3A_140, %dma_wait3A_141] : memref<512x128xf32, #tpu.memory_space<vmem>> -> memref<128x128xf32, #tpu.memory_space<vmem>>
    tpu.wait_dma2 semaphore(%arg11 : memref<!tpu.dma_semaphore, #tpu.memory_space<semaphore_mem>>) src(%dma_wait3A_142 : memref<128x128xf32, #tpu.memory_space<vmem>>) dst(%dma_wait3A_139 : memref<128x128xf32, #tpu.memory_space<hbm>>)
    %add3A_143 = arith.constant 128 : i32
    %add3A_144 = arith.addi %mul3A_2, %add3A_143 : i32
    %dma_wait3A_145 = arith.constant 128 : i32
    %dma_wait3A_146 = arith.constant 0 : i32
    %dma_wait3A_147 = tpu.memref_slice %arg6[%dma_wait3A_145, %dma_wait3A_146] : memref<512x128xf32, #tpu.memory_space<vmem>> -> memref<128x128xf32, #tpu.memory_space<vmem>>
    %dma_wait3A_148 = arith.constant 0 : i32
    %dma_wait3A_149 = tpu.memref_slice %arg4[%add3A_144, %dma_wait3A_148] : memref<16384x128xf32, #tpu.memory_space<hbm>> -> memref<128x128xf32, #tpu.memory_space<hbm>>
    %dma_wait3A_150 = arith.constant 0 : i32
    %dma_wait3A_151 = tpu.memref_slice %arg4[%add3A_144, %dma_wait3A_150] : memref<16384x128xf32, #tpu.memory_space<hbm>> -> memref<128x128xf32, #tpu.memory_space<hbm>>
    %dma_wait3A_152 = arith.constant 128 : i32
    %dma_wait3A_153 = arith.constant 0 : i32
    %dma_wait3A_154 = tpu.memref_slice %arg6[%dma_wait3A_152, %dma_wait3A_153] : memref<512x128xf32, #tpu.memory_space<vmem>> -> memref<128x128xf32, #tpu.memory_space<vmem>>
    tpu.wait_dma2 semaphore(%arg11 : memref<!tpu.dma_semaphore, #tpu.memory_space<semaphore_mem>>) src(%dma_wait3A_154 : memref<128x128xf32, #tpu.memory_space<vmem>>) dst(%dma_wait3A_151 : memref<128x128xf32, #tpu.memory_space<hbm>>)
    %add3A_155 = arith.constant 256 : i32
    %add3A_156 = arith.addi %mul3A_2, %add3A_155 : i32
    %dma_wait3A_157 = arith.constant 256 : i32
    %dma_wait3A_158 = arith.constant 0 : i32
    %dma_wait3A_159 = tpu.memref_slice %arg6[%dma_wait3A_157, %dma_wait3A_158] : memref<512x128xf32, #tpu.memory_space<vmem>> -> memref<128x128xf32, #tpu.memory_space<vmem>>
    %dma_wait3A_160 = arith.constant 0 : i32
    %dma_wait3A_161 = tpu.memref_slice %arg4[%add3A_156, %dma_wait3A_160] : memref<16384x128xf32, #tpu.memory_space<hbm>> -> memref<128x128xf32, #tpu.memory_space<hbm>>
    %dma_wait3A_162 = arith.constant 0 : i32
    %dma_wait3A_163 = tpu.memref_slice %arg4[%add3A_156, %dma_wait3A_162] : memref<16384x128xf32, #tpu.memory_space<hbm>> -> memref<128x128xf32, #tpu.memory_space<hbm>>
    %dma_wait3A_164 = arith.constant 256 : i32
    %dma_wait3A_165 = arith.constant 0 : i32
    %dma_wait3A_166 = tpu.memref_slice %arg6[%dma_wait3A_164, %dma_wait3A_165] : memref<512x128xf32, #tpu.memory_space<vmem>> -> memref<128x128xf32, #tpu.memory_space<vmem>>
    tpu.wait_dma2 semaphore(%arg11 : memref<!tpu.dma_semaphore, #tpu.memory_space<semaphore_mem>>) src(%dma_wait3A_166 : memref<128x128xf32, #tpu.memory_space<vmem>>) dst(%dma_wait3A_163 : memref<128x128xf32, #tpu.memory_space<hbm>>)
    %add3A_167 = arith.constant 384 : i32
    %add3A_168 = arith.addi %mul3A_2, %add3A_167 : i32
    %dma_wait3A_169 = arith.constant 384 : i32
    %dma_wait3A_170 = arith.constant 0 : i32
    %dma_wait3A_171 = tpu.memref_slice %arg6[%dma_wait3A_169, %dma_wait3A_170] : memref<512x128xf32, #tpu.memory_space<vmem>> -> memref<128x128xf32, #tpu.memory_space<vmem>>
    %dma_wait3A_172 = arith.constant 0 : i32
    %dma_wait3A_173 = tpu.memref_slice %arg4[%add3A_168, %dma_wait3A_172] : memref<16384x128xf32, #tpu.memory_space<hbm>> -> memref<128x128xf32, #tpu.memory_space<hbm>>
    %dma_wait3A_174 = arith.constant 0 : i32
    %dma_wait3A_175 = tpu.memref_slice %arg4[%add3A_168, %dma_wait3A_174] : memref<16384x128xf32, #tpu.memory_space<hbm>> -> memref<128x128xf32, #tpu.memory_space<hbm>>
    %dma_wait3A_176 = arith.constant 384 : i32
    %dma_wait3A_177 = arith.constant 0 : i32
    %dma_wait3A_178 = tpu.memref_slice %arg6[%dma_wait3A_176, %dma_wait3A_177] : memref<512x128xf32, #tpu.memory_space<vmem>> -> memref<128x128xf32, #tpu.memory_space<vmem>>
    tpu.wait_dma2 semaphore(%arg11 : memref<!tpu.dma_semaphore, #tpu.memory_space<semaphore_mem>>) src(%dma_wait3A_178 : memref<128x128xf32, #tpu.memory_space<vmem>>) dst(%dma_wait3A_175 : memref<128x128xf32, #tpu.memory_space<hbm>>)
    return
  }
}

module attributes {stable_mosaic.version = 14 : i64} {
  func.func @_mlp_body(%arg0: i32, %arg1: memref<4096x128xf32, #tpu.memory_space<vmem>>, %arg2: memref<1x1x4096xi32, #tpu.memory_space<vmem>>, %arg3: memref<1x1x4096xi32, #tpu.memory_space<vmem>>, %arg4: memref<128x512xf32, #tpu.memory_space<vmem>>, %arg5: memref<32x28xf32, #tpu.memory_space<vmem>>, %arg6: memref<28x512xf32, #tpu.memory_space<vmem>>, %arg7: memref<1x512xf32, #tpu.memory_space<vmem>>, %arg8: memref<512x128xf32, #tpu.memory_space<vmem>>, %arg9: memref<1x128xf32, #tpu.memory_space<vmem>>, %arg10: memref<128x64xf32, #tpu.memory_space<vmem>>, %arg11: memref<1x64xf32, #tpu.memory_space<vmem>>, %arg12: memref<4096x64xf32, #tpu.memory_space<vmem>>) attributes {dimension_semantics = [#tpu.dimension_semantics<arbitrary>], iteration_bounds = array<i64: 4>, scalar_prefetch = 0 : i64, scratch_operands = 0 : i64, tpu.core_type = #tpu.core_type<tc>, window_params = [{transform_indices = @transform_0, window_bounds = array<i64: 4096, 128>}, {transform_indices = @transform_1, window_bounds = array<i64: 1, 1, 4096>}, {transform_indices = @transform_2, window_bounds = array<i64: 1, 1, 4096>}, {pipeline_mode = #tpu.pipeline_mode<synchronous>, transform_indices = @transform_3, window_bounds = array<i64: 128, 512>}, {pipeline_mode = #tpu.pipeline_mode<synchronous>, transform_indices = @transform_4, window_bounds = array<i64: 32, 28>}, {pipeline_mode = #tpu.pipeline_mode<synchronous>, transform_indices = @transform_5, window_bounds = array<i64: 28, 512>}, {pipeline_mode = #tpu.pipeline_mode<synchronous>, transform_indices = @transform_6, window_bounds = array<i64: 1, 512>}, {pipeline_mode = #tpu.pipeline_mode<synchronous>, transform_indices = @transform_7, window_bounds = array<i64: 512, 128>}, {pipeline_mode = #tpu.pipeline_mode<synchronous>, transform_indices = @transform_8, window_bounds = array<i64: 1, 128>}, {pipeline_mode = #tpu.pipeline_mode<synchronous>, transform_indices = @transform_9, window_bounds = array<i64: 128, 64>}, {pipeline_mode = #tpu.pipeline_mode<synchronous>, transform_indices = @transform_10, window_bounds = array<i64: 1, 64>}, {transform_indices = @transform_11, window_bounds = array<i64: 4096, 64>}]} {
    %iota3A = tpu.iota {dimensions = array<i32: 0>} : vector<32x1xi32>
    %lt3A = arith.constant 16 : i32
    %lt3A_0 = vector.broadcast %lt3A : i32 to vector<32x1xi32>
    %lt3A_1 = arith.cmpi slt, %iota3A, %lt3A_0 : vector<32x1xi32>
    %get3A = arith.constant 0 : index
    %get3A_2 = arith.constant 0 : index
    %get3A_3 = arith.constant 0 : index
    %get3A_4 = vector.load %arg2[%get3A, %get3A_2, %get3A_3] : memref<1x1x4096xi32, #tpu.memory_space<vmem>>, vector<1x1x4096xi32>
    %get3A_5 = vector.shape_cast %get3A_4 : vector<1x1x4096xi32> to vector<1x4096xi32>
    %get3A_6 = arith.constant 0 : index
    %get3A_7 = arith.constant 0 : index
    %get3A_8 = arith.constant 0 : index
    %get3A_9 = vector.load %arg3[%get3A_6, %get3A_7, %get3A_8] : memref<1x1x4096xi32, #tpu.memory_space<vmem>>, vector<1x1x4096xi32>
    %get3A_10 = vector.shape_cast %get3A_9 : vector<1x1x4096xi32> to vector<1x4096xi32>
    %add3A = arith.constant 16 : i32
    %add3A_11 = vector.broadcast %add3A : i32 to vector<1x4096xi32>
    %add3A_12 = arith.addi %get3A_10, %add3A_11 : vector<1x4096xi32>
    %broadcast_in_dim3A = vector.shape_cast %lt3A_1 : vector<32x1xi1> to vector<32x1xi1>
    %broadcast_in_dim3A_13 = vector.broadcast %broadcast_in_dim3A : vector<32x1xi1> to vector<32x4096xi1>
    %broadcast_in_dim3A_14 = vector.shape_cast %get3A_5 : vector<1x4096xi32> to vector<1x4096xi32>
    %broadcast_in_dim3A_15 = vector.broadcast %broadcast_in_dim3A_14 : vector<1x4096xi32> to vector<32x4096xi32>
    %broadcast_in_dim3A_16 = vector.shape_cast %add3A_12 : vector<1x4096xi32> to vector<1x4096xi32>
    %broadcast_in_dim3A_17 = vector.broadcast %broadcast_in_dim3A_16 : vector<1x4096xi32> to vector<32x4096xi32>
    %select_n3A = arith.select %broadcast_in_dim3A_13, %broadcast_in_dim3A_15, %broadcast_in_dim3A_17 : vector<32x4096xi1>, vector<32x4096xi32>
    %eq3A = vector.broadcast %iota3A : vector<32x1xi32> to vector<32x4096xi32>
    %eq3A_18 = arith.cmpi eq, %select_n3A, %eq3A : vector<32x4096xi32>
    %convert_element_type3A = arith.extui %eq3A_18 : vector<32x4096xi1> to vector<32x4096xi32>
    %convert_element_type3A_19 = arith.sitofp %convert_element_type3A : vector<32x4096xi32> to vector<32x4096xf32>
    %get3A_20 = arith.constant 0 : index
    %get3A_21 = arith.constant 0 : index
    %get3A_22 = vector.load %arg1[%get3A_20, %get3A_21] : memref<4096x128xf32, #tpu.memory_space<vmem>>, vector<4096x128xf32>
    %get3A_23 = arith.constant 0 : index
    %get3A_24 = arith.constant 0 : index
    %get3A_25 = vector.load %arg4[%get3A_23, %get3A_24] : memref<128x512xf32, #tpu.memory_space<vmem>>, vector<128x512xf32>
    %dot_general3A = arith.constant dense<0.000000e+00> : vector<4096x512xf32>
    %dot_general3A_26 = tpu.matmul %get3A_22, %get3A_25, %dot_general3A {dimension_numbers = #tpu.dot_dimension_numbers<[1], [0], [0], [1], [0, 0, 1, 1], [], []>, transpose_lhs_hint = false} : vector<4096x128xf32>, vector<128x512xf32>, vector<4096x512xf32> -> vector<4096x512xf32>
    %get3A_27 = arith.constant 0 : index
    %get3A_28 = arith.constant 0 : index
    %get3A_29 = vector.load %arg5[%get3A_27, %get3A_28] : memref<32x28xf32, #tpu.memory_space<vmem>>, vector<32x28xf32>
    %get3A_30 = arith.constant 0 : index
    %get3A_31 = arith.constant 0 : index
    %get3A_32 = vector.load %arg6[%get3A_30, %get3A_31] : memref<28x512xf32, #tpu.memory_space<vmem>>, vector<28x512xf32>
    %dot_general3A_33 = arith.constant dense<0.000000e+00> : vector<32x512xf32>
    %dot_general3A_34 = tpu.matmul %get3A_29, %get3A_32, %dot_general3A_33 {dimension_numbers = #tpu.dot_dimension_numbers<[1], [0], [0], [1], [0, 0, 1, 1], [], []>, transpose_lhs_hint = false} : vector<32x28xf32>, vector<28x512xf32>, vector<32x512xf32> -> vector<32x512xf32>
    %dot_general3A_35 = arith.constant dense<0.000000e+00> : vector<4096x512xf32>
    %dot_general3A_36 = tpu.matmul %convert_element_type3A_19, %dot_general3A_34, %dot_general3A_35 {dimension_numbers = #tpu.dot_dimension_numbers<[0], [0], [1], [1], [0, 1, 1, 1], [], []>, transpose_lhs_hint = false} : vector<32x4096xf32>, vector<32x512xf32>, vector<4096x512xf32> -> vector<4096x512xf32>
    %add3A_37 = arith.addf %dot_general3A_26, %dot_general3A_36 : vector<4096x512xf32>
    %get3A_38 = arith.constant 0 : index
    %get3A_39 = arith.constant 0 : index
    %get3A_40 = vector.load %arg7[%get3A_38, %get3A_39] : memref<1x512xf32, #tpu.memory_space<vmem>>, vector<1x512xf32>
    %add3A_41 = vector.broadcast %get3A_40 : vector<1x512xf32> to vector<4096x512xf32>
    %add3A_42 = arith.addf %add3A_37, %add3A_41 : vector<4096x512xf32>
    %max3A = arith.constant 0.000000e+00 : f32
    %max3A_43 = vector.broadcast %max3A : f32 to vector<4096x512xf32>
    %max3A_44 = arith.maximumf %add3A_42, %max3A_43 : vector<4096x512xf32>
    %get3A_45 = arith.constant 0 : index
    %get3A_46 = arith.constant 0 : index
    %get3A_47 = vector.load %arg8[%get3A_45, %get3A_46] : memref<512x128xf32, #tpu.memory_space<vmem>>, vector<512x128xf32>
    %dot_general3A_48 = arith.constant dense<0.000000e+00> : vector<4096x128xf32>
    %dot_general3A_49 = tpu.matmul %max3A_44, %get3A_47, %dot_general3A_48 {dimension_numbers = #tpu.dot_dimension_numbers<[1], [0], [0], [1], [0, 0, 1, 1], [], []>, transpose_lhs_hint = false} : vector<4096x512xf32>, vector<512x128xf32>, vector<4096x128xf32> -> vector<4096x128xf32>
    %get3A_50 = arith.constant 0 : index
    %get3A_51 = arith.constant 0 : index
    %get3A_52 = vector.load %arg9[%get3A_50, %get3A_51] : memref<1x128xf32, #tpu.memory_space<vmem>>, vector<1x128xf32>
    %add3A_53 = vector.broadcast %get3A_52 : vector<1x128xf32> to vector<4096x128xf32>
    %add3A_54 = arith.addf %dot_general3A_49, %add3A_53 : vector<4096x128xf32>
    %max3A_55 = arith.constant 0.000000e+00 : f32
    %max3A_56 = vector.broadcast %max3A_55 : f32 to vector<4096x128xf32>
    %max3A_57 = arith.maximumf %add3A_54, %max3A_56 : vector<4096x128xf32>
    %get3A_58 = arith.constant 0 : index
    %get3A_59 = arith.constant 0 : index
    %get3A_60 = vector.load %arg10[%get3A_58, %get3A_59] : memref<128x64xf32, #tpu.memory_space<vmem>>, vector<128x64xf32>
    %dot_general3A_61 = arith.constant dense<0.000000e+00> : vector<4096x64xf32>
    %dot_general3A_62 = tpu.matmul %max3A_57, %get3A_60, %dot_general3A_61 {dimension_numbers = #tpu.dot_dimension_numbers<[1], [0], [0], [1], [0, 0, 1, 1], [], []>, transpose_lhs_hint = false} : vector<4096x128xf32>, vector<128x64xf32>, vector<4096x64xf32> -> vector<4096x64xf32>
    %get3A_63 = arith.constant 0 : index
    %get3A_64 = arith.constant 0 : index
    %get3A_65 = vector.load %arg11[%get3A_63, %get3A_64] : memref<1x64xf32, #tpu.memory_space<vmem>>, vector<1x64xf32>
    %add3A_66 = vector.broadcast %get3A_65 : vector<1x64xf32> to vector<4096x64xf32>
    %add3A_67 = arith.addf %dot_general3A_62, %add3A_66 : vector<4096x64xf32>
    %swap3A = arith.constant 0 : index
    %swap3A_68 = arith.constant 0 : index
    %swap3A_69 = vector.load %arg12[%swap3A, %swap3A_68] : memref<4096x64xf32, #tpu.memory_space<vmem>>, vector<4096x64xf32>
    tpu.vector_store %arg12[%swap3A, %swap3A_68], %add3A_67 {strides = array<i32>} : memref<4096x64xf32, #tpu.memory_space<vmem>>, vector<4096x64xf32>,
    return
  }
  func.func @transform_0(%arg0: i32) -> (i32, i32) {
    %c0_i32 = arith.constant 0 : i32
    %c0_i32_0 = arith.constant 0 : i32
    return %arg0, %c0_i32 : i32, i32
  }
  func.func @transform_1(%arg0: i32) -> (i32, i32, i32) {
    %c0_i32 = arith.constant 0 : i32
    %c0_i32_0 = arith.constant 0 : i32
    %c0_i32_1 = arith.constant 0 : i32
    return %arg0, %c0_i32, %c0_i32_0 : i32, i32, i32
  }
  func.func @transform_2(%arg0: i32) -> (i32, i32, i32) {
    %c0_i32 = arith.constant 0 : i32
    %c0_i32_0 = arith.constant 0 : i32
    %c0_i32_1 = arith.constant 0 : i32
    return %arg0, %c0_i32, %c0_i32_0 : i32, i32, i32
  }
  func.func @transform_3(%arg0: i32) -> (i32, i32) {
    %c0_i32 = arith.constant 0 : i32
    %c0_i32_0 = arith.constant 0 : i32
    %c0_i32_1 = arith.constant 0 : i32
    return %c0_i32, %c0_i32_0 : i32, i32
  }
  func.func @transform_4(%arg0: i32) -> (i32, i32) {
    %c0_i32 = arith.constant 0 : i32
    %c0_i32_0 = arith.constant 0 : i32
    %c0_i32_1 = arith.constant 0 : i32
    return %c0_i32, %c0_i32_0 : i32, i32
  }
  func.func @transform_5(%arg0: i32) -> (i32, i32) {
    %c0_i32 = arith.constant 0 : i32
    %c0_i32_0 = arith.constant 0 : i32
    %c0_i32_1 = arith.constant 0 : i32
    return %c0_i32, %c0_i32_0 : i32, i32
  }
  func.func @transform_6(%arg0: i32) -> (i32, i32) {
    %c0_i32 = arith.constant 0 : i32
    %c0_i32_0 = arith.constant 0 : i32
    %c0_i32_1 = arith.constant 0 : i32
    return %c0_i32, %c0_i32_0 : i32, i32
  }
  func.func @transform_7(%arg0: i32) -> (i32, i32) {
    %c0_i32 = arith.constant 0 : i32
    %c0_i32_0 = arith.constant 0 : i32
    %c0_i32_1 = arith.constant 0 : i32
    return %c0_i32, %c0_i32_0 : i32, i32
  }
  func.func @transform_8(%arg0: i32) -> (i32, i32) {
    %c0_i32 = arith.constant 0 : i32
    %c0_i32_0 = arith.constant 0 : i32
    %c0_i32_1 = arith.constant 0 : i32
    return %c0_i32, %c0_i32_0 : i32, i32
  }
  func.func @transform_9(%arg0: i32) -> (i32, i32) {
    %c0_i32 = arith.constant 0 : i32
    %c0_i32_0 = arith.constant 0 : i32
    %c0_i32_1 = arith.constant 0 : i32
    return %c0_i32, %c0_i32_0 : i32, i32
  }
  func.func @transform_10(%arg0: i32) -> (i32, i32) {
    %c0_i32 = arith.constant 0 : i32
    %c0_i32_0 = arith.constant 0 : i32
    %c0_i32_1 = arith.constant 0 : i32
    return %c0_i32, %c0_i32_0 : i32, i32
  }
  func.func @transform_11(%arg0: i32) -> (i32, i32) {
    %c0_i32 = arith.constant 0 : i32
    %c0_i32_0 = arith.constant 0 : i32
    return %arg0, %c0_i32 : i32, i32
  }
}

</mosaic_0001>

<sc_bundles>
// kernel: kernel.4.cloned.1.call-start
scs
__scs_entry_jumppad:
0x0: {  	(pc) =	sbr.rel $0x88, $3  }
0x1: {  	(tag) =	ssettag $0x0;
	lr =	simm.s32 $0x1  }
0x2: {  	[smem:$0x3F95] =	sst lr;
	_ =	strace $0xD0000000  }
0x3: {  	_ = 	snop  }
0x4: {  	_ = 	snop  }
0x5: {  	_ = 	snop  }
0x6: {  	_ = 	snop  }
0x7: {  	_ = 	snop  }
__scs_overlays_trampoline_lowered:
0x8: {  	[smem:$0x3FA4] =	sst s0  }
0x9: {  	[smem:$0x3FA5] =	sst s1  }
0xa: {  	[smem:$0x3FA6] =	sst s2  }
0xb: {  	[smem:$0x3FA7] =	sst s3  }
0xc: {  	[smem:$0x3FA8] =	sst s4  }
0xd: {  	[smem:$0x3FA9] =	sst s5  }
0xe: {  	[smem:$0x3FAA] =	sst s6  }
0xf: {  	[smem:$0x3FAB] =	sst s7  }
0x10: {  	[smem:$0x3FAC] =	sst s8  }
0x11: {  	[smem:$0x3FAD] =	sst s9;
	s0 =	simm.s32 @!p0 $0x0  }
0x12: {  	s1 =	sld [smem:$0x3F93];
	s0 =	simm.s32 @p0 $0x1  }
0x13: {  	[smem:$0x3FAE] =	sst s0;
	s0 =	simm.s32 @!p1 $0x0  }
0x14: {  	s2 =	sld [smem:$0x3F92];
	s0 =	simm.s32 @p1 $0x1  }
0x15: {  	[smem:$0x3FAF] =	sst s0;
	s0 =	simm.s32 @!p2 $0x0  }
0x16: {  	s3 =	sld [smem:$0x3FDB];
	s0 =	simm.s32 @p2 $0x1  }
0x17: {  	s4 =	simm.s32 $0x1BF5;
	[smem:$0x3FB1] =	sst s0  }
0x18: {  	s0 =	sld [smem:$0x3F94];
	_ =	swait.ge [sflag:s4], $0x0  }
0x19: {  	s7 =	sld [smem:$0x3F95]  }
0x1a: {  	s8 =	sadd.s32 $0xFFFFE003, lr  }
0x1b: {  	s9 =	sadd.s32 $0xFFFFFEF7, lr;
	s5 =	simm.s32 $0xFFFFFFFF;
	p2 =	slt.u32 s8, $0xFFFFF086  }
0x1c: {  	p1 =	slt.u32 s9, $0xF7A;
	s5 =	simm.s32 @!p2 $0x0  }
0x1d: {  	s5 =	simm.s32 @p1 $0x1;
	p0 =	seq.s32 s7, s2  }
0x1e: {  	s7 =	smul.u32 @!p0 $0xF7A, s2;
	p2 =	seq.s32 @!p0 s5, $0x0  }
0x1f: {  	s9 =	smul.u32 $0xF7A, s1;
	s8 =	simm.s32 @!p0 $0x1BF5;
	p2 =	por !p2, p0  }
0x20: {  	[sflag:s8] =	ssyncset.s32 @!p0 $0xFFFFF086;
	s6 =	sadd.s32 @!p0 s3, s7;
	s7 =	simm.s32 @!p0 $0x108  }
0x21: {  	s3 =	sadd.s32 s3, s9;
	s6 =	sadd.s32 @!p0 $0x88, s6;
	s7 =	simm.s32 @p2 $0x1082  }
0x22: {  	[simem:s7], [sflag:s8] =	dma.local @!p0 [hbm:s6], $0xF7A  }
0x23: {  	s9 =	sor.u32 $0xD0000000, s2;
	s6 =	simm.s32 $0x108;
	_ =	swait.ge @!p0 [sflag:s8], $0x0  }
0x24: {  	s3 =	sadd.s32 $0x88, s3;
	s6 =	simm.s32 @!p1 $0x1082;
	[sflag:s4] =	ssyncset.s32 $0xFFFFF086  }
0x25: {  	[simem:s6], [sflag:s4] =	dma.local [hbm:s3], $0xF7A  }
0x26: {  	[smem:$0x3F95] =	sst s1;
	(tag) =	ssettag s2;
	_ =	strace s9  }
0x27: {  	s1 =	sld [smem:$0x3FA5]  }
0x28: {  	s2 =	sld [smem:$0x3FA6]  }
0x29: {  	s4 =	sld [smem:$0x3FA8]  }
0x2a: {  	p0 =	seq.s32 s5, $0x0;
	s5 =	sld [smem:$0x3FA9]  }
0x2b: {  	s6 =	sld [smem:$0x3FAA]  }
0x2c: {  	s7 =	sld [smem:$0x3FAB]  }
0x2d: {  	s3 =	simm.s32 $0x108;
	s8 =	sld [smem:$0x3FAC]  }
0x2e: {  	s3 =	simm.s32 @!p0 $0x1082;
	s9 =	sld [smem:$0x3FAD]  }
0x2f: {  	lr =	sadd.s32 s0, s3;
	s0 =	sld [smem:$0x3FA4]  }
0x30: {  	s3 =	sld [smem:$0x3FA7]  }
0x31: {  	[smem:$0x3FB0] =	sst s10  }
0x32: {  	s10 =	sld [smem:$0x3FAE];
	_ =	sdelay $0x3  }
0x33: {  	p0 =	seq.s32 s10, $0x1;
	s10 =	sld [smem:$0x3FB0];
	_ =	sdelay $0x3  }
0x34: {  	[smem:$0x3FB0] =	sst s10  }
0x35: {  	s10 =	sld [smem:$0x3FAF];
	_ =	sdelay $0x3  }
0x36: {  	p1 =	seq.s32 s10, $0x1;
	s10 =	sld [smem:$0x3FB0];
	_ =	sdelay $0x3  }
0x37: {  	[smem:$0x3FB0] =	sst s10  }
0x38: {  	s10 =	sld [smem:$0x3FB1]  }
0x39: {  	_ = 	snop;
	(pc) =	sbr.ind lr, $3  }
0x3a: {  	_ = 	snop  }
0x3b: {  	_ = 	snop  }
0x3c: {  	p2 =	seq.s32 s10, $0x1;
	s10 =	sld [smem:$0x3FB0]  }
0x3d: {  	_ =	shalt  }
0x3e: {  	_ =	shalt  }
0x3f: {  	_ =	shalt  }
0x40: {  	_ =	shalt  }
0x41: {  	_ =	shalt  }
0x42: {  	_ =	shalt  }
0x43: {  	_ =	shalt  }
0x44: {  	_ =	shalt  }
0x45: {  	_ =	shalt  }
0x46: {  	_ =	shalt  }
0x47: {  	_ =	shalt  }
0x48: {  	_ =	shalt  }
0x49: {  	_ =	shalt  }
0x4a: {  	_ =	shalt  }
0x4b: {  	_ =	shalt  }
0x4c: {  	_ =	shalt  }
0x4d: {  	_ =	shalt  }
0x4e: {  	_ =	shalt  }
0x4f: {  	_ =	shalt  }
0x50: {  	_ =	shalt  }
0x51: {  	_ =	shalt  }
0x52: {  	_ =	shalt  }
0x53: {  	_ =	shalt  }
0x54: {  	_ =	shalt  }
0x55: {  	_ =	shalt  }
0x56: {  	_ =	shalt  }
0x57: {  	_ =	shalt  }
0x58: {  	_ =	shalt  }
0x59: {  	_ =	shalt  }
0x5a: {  	_ =	shalt  }
0x5b: {  	_ =	shalt  }
0x5c: {  	_ =	shalt  }
0x5d: {  	_ =	shalt  }
0x5e: {  	_ =	shalt  }
0x5f: {  	_ =	shalt  }
0x60: {  	_ =	shalt  }
0x61: {  	_ =	shalt  }
0x62: {  	_ =	shalt  }
0x63: {  	_ =	shalt  }
0x64: {  	_ =	shalt  }
0x65: {  	_ =	shalt  }
0x66: {  	_ =	shalt  }
0x67: {  	_ =	shalt  }
0x68: {  	_ =	shalt  }
0x69: {  	_ =	shalt  }
0x6a: {  	_ =	shalt  }
0x6b: {  	_ =	shalt  }
0x6c: {  	_ =	shalt  }
0x6d: {  	_ =	shalt  }
0x6e: {  	_ =	shalt  }
0x6f: {  	_ =	shalt  }
0x70: {  	_ =	shalt  }
0x71: {  	_ =	shalt  }
0x72: {  	_ =	shalt  }
0x73: {  	_ =	shalt  }
0x74: {  	_ =	shalt  }
0x75: {  	_ =	shalt  }
0x76: {  	_ =	shalt  }
0x77: {  	_ =	shalt  }
0x78: {  	_ =	shalt  }
0x79: {  	_ =	shalt  }
0x7a: {  	_ =	shalt  }
0x7b: {  	_ =	shalt  }
0x7c: {  	_ =	shalt  }
0x7d: {  	_ =	shalt  }
0x7e: {  	_ =	shalt  }
0x7f: {  	_ =	shalt  }
0x80: {  	_ =	shalt  }
0x81: {  	_ =	shalt  }
0x82: {  	_ =	shalt  }
0x83: {  	_ =	shalt  }
0x84: {  	_ =	shalt  }
0x85: {  	_ =	shalt  }
0x86: {  	_ =	shalt  }
0x87: {  	_ =	shalt  }
.Lfunc_end0:
.L_simem_size_0:
called_computation_lowered:
.L_overlay_start_0:
0x88: {  	s2 =	sld [smem:$0x3FD9]  }
0x89: {  	s3 =	sld [smem:$0x3FFE];
	_ =	sdelay $0x1  }
0x8a: {  	s1 =	srdreg.scid  }
0x8b: {  	s0 =	sand.u32 $0x1, s1  }
0x8c: {  	s17 =	sshll.u32 s0, $0xA;
	s2 =	sadd.s32 s3, s2  }
0x8d: {  	s2 =	sadd.s32 s2, s17  }
0x8e: {  	[smem:$0x3FBC] =	sst s2  }
0x8f: {  	_ = 	snop  }
0x90: {  	s2 =	sld [smem:$0x3FC9]  }
0x91: {  	s18 =	sld [smem:$0x3FD0];
	(tm) =	ssettm $0x1  }
0x92: {  	s4 =	sld [smem:$0x3FFB];
	_ =	sdelay $0x3  }
0x93: {  	_ =	strace s4  }
0x94: {  	s4 =	sld [smem:$0x3FFC];
	_ =	sdelay $0x3  }
0x95: {  	_ =	strace s4  }
0x96: {  	s4 =	sld [smem:$0x3FFD];
	_ =	sdelay $0x3  }
0x97: {  	_ =	strace s4  }
0x98: {  	_ =	strace $0x8FFFFFFF  }
0x99: {  	s19 =	sld [smem:$0x3FDB];
	_ =	sdelay $0x1  }
0x9a: {  	s5 =	simm.s32 $_scs_section_size  }
0x9b: {  	s6 =	simm.s32 $_size__tile_overlayer_lowered;
	s7 =	simm.s32 $_tile_overlayer_lowered  }
0x9c: {  	s22 =	simm.s32 $0x1BFF;
	s21 =	sshll.u32 s7, $0x1;
	s4 =	sadd.s32 s5, s19  }
0x9d: {  	s8 =	simm.s32 $0x0;
	s20 =	sshll.u32 s6, $0x1;
	s6 =	sadd.s32 s21, s4  }
0x9e: {  	[timem:s8], [sflag:s22] =	dma.local [hbm:s6], s20  }
0x9f: {  	_ =	swait.ge [sflag:s22], s20  }
0xa0: {  	s5 =	ssub.s32 $0x0, s20;
	[sflag:s22] =	ssyncset.done $0x0  }
0xa1: {  	[sflag:s22] =	ssyncadd.s32 s5;
	_ =	sdelay $0x1  }
0xa2: {  	s23 =	simm.s32 $0x1B8B  }
0xa3: {  	_ =	swait.ge [sflag:s23], $0x1  }
0xa4: {  	[sflag:s23] =	ssyncset.done $0x0  }
0xa5: {  	s25 =	simm.s32 $0x1B8E;
	s24 =	sld [smem:$0x3FFE];
	[sflag:s23] =	ssyncadd.s32 $0xFFFFFFFF  }
0xa6: {  	s26 =	simm.s32 $execute0_lowered;
	[smem:$0x3FD2] =	sst s25  }
0xa7: {  	s6 =	sshll.u32 s26, $0x1;
	_ =	strace $0x80000046;
	[dreg:$0x1] =	wrdreg $0xFFFFFFFF  }
0xa8: {  	s28 =	simm.s32 $_size_execute0_lowered;
	s4 =	sadd.s32 s4, s6;
	[dreg:$0x0] =	wrdreg $0x0  }
0xa9: {  	s6 =	sshll.u32 s28, $0x1;
	[dreg:$0x2] =	wrdreg s4  }
0xaa: {  	[dreg:$0x3] =	wrdreg s6  }
0xab: {  	[dreg:$0x4] =	wrdreg $0xC0  }
0xac: {  	_ =	task [dreg:s8], $0x5FFFF  }
0xad: {  	[dreg:$0x1] =	wrdreg $0xFFFFFFFF  }
0xae: {  	[dreg:$0x0] =	wrdreg $0x60  }
0xaf: {  	[dreg:$0x2] =	wrdreg s18  }
0xb0: {  	[dreg:$0x3] =	wrdreg s2  }
0xb1: {  	[dreg:$0x4] =	wrdreg s24  }
0xb2: {  	[dreg:$0x5] =	wrdreg $0x9  }
0xb3: {  	_ =	task.clear_ibuf [dreg:s8], $0x6FFFF;
	_ =	strace $0x90000046  }
0xb4: {  	s29 =	simm.s32 $0x9;
	_ =	strace $0x80000048  }
0xb5: {  	_ =	swait.ge [sflag:s29], $0x1  }
0xb6: {  	[sflag:s29] =	ssyncadd.s32 $0xFFFFFFFF  }
0xb7: {  	_ =	strace $0x90000048  }
0xb8: {  	_ =	sfence  }
0xb9: {  	s30 =	sld [smem:$0x0];
	_ =	sdelay $0x2  }
0xba: {  	s31 =	sshll.u32 s1, $0xD;
	s1 =	sshrl.u32 s1, $0x2  }
0xbb: {  	s3 =	sand.u32 $0x4000, s31;
	s1 =	sadd.s32 s1, s30  }
0xbc: {  	s0 =	sor.u32 s3, s0;
	s1 =	sshll.u32 s1, $0x11  }
0xbd: {  	s0 =	sor.u32 s1, s0  }
0xbe: {  	s0 =	sadd.s32 $0x8F2B, s0  }
0xbf: {  	[sflag:s0] =	ssyncadd.remote.s32 $0x1  }
0xc0: {  	_ =	sfence.sel $0xFFFF  }
0xc1: {  	[dreg:$0x0] =	wrdreg $0xFFFFFFFF;
	(pc) =	sbr.abs _section_cstart, $3  }
0xc2: {  	[dreg:$0x1] =	wrdreg $0xFFFFFFFF  }
0xc3: {  	_ =	task.clear_ibuf [dreg:s8], $0x2FFFF;
	_ =	strace $0x9FFFFFFF  }
0xc4: {  	(tm) =	ssettm $0x7FFFFFFF  }
0xc5: {  	_ =	shalt  }
tec
execute0_lowered:
.L_overlay_start_1:
0x0: {  	(tag) =	ssettag $0x1  }
0x1: {  	s1 =	rddreg [dreg:$0x0]  }
0x2: {  	s4 =	rddreg [dreg:$0x1]  }
0x3: {  	s14 =	rddreg [dreg:$0x2];
	s2 =	srdreg.scid  }
0x4: {  	s0 =	rddreg [dreg:$0x3];
	s22 =	sand.u32 $0x1, s2  }
0x5: {  	s3 =	simm.s32 $0x0;
	s2 =	stileid.u32;
	s5 =	sshll.u32 s22, $0x6  }
0x6: {  	[smem:$0x7FF] =	sst s3;
	s6 =	sshll.u32 s2, $0x7;
	s4 =	sadd.s32 s4, s5  }
0x7: {  	_ =	strace $0x80000047;
	s5 =	simm.s32 $0x6;
	s4 =	sadd.s32 s6, s4  }
0x8: {  	[tilespmem:s3], [sflag:$0x6] =	stream.linear.gather [hbm4b:s4+s3], $0x200, $0x38;
	[tilespmem:$0x10200] =	vst v63  }
0x9: {  	_ =	swait.ge [sflag:s5], $0x200  }
0xa: {  	[sflag:s5] =	ssyncset.done $0x0  }
0xb: {  	s7 =	simm.s32 $0x200;
	s6 =	simm.s32 $0x80;
	[sflag:s5] =	ssyncadd.s32 $0xFFFFFE00  }
0xc: {  	[tilespmem:s7], [sflag:$0x1] =	stream.indirect.gather [hbm4b:s1+s6], $0x80, s3, s6, $0xb8;
	[tilespmem:$0x10200] =	vst v63  }
0xd: {  	s8 =	simm.s32 $0x4200;
	s9 =	simm.s32 $0x100  }
0xe: {  	[tilespmem:s8], [sflag:$0x2] =	stream.indirect.gather [hbm4b:s1+s6], $0x80, s6, s6, $0xb8;
	[tilespmem:$0x10200] =	vst v63  }
0xf: {  	s10 =	simm.s32 $0x8200;
	s11 =	simm.s32 $0x180;
	s12 =	simm.s32 $0xC200  }
0x10: {  	[tilespmem:s10], [sflag:$0x3] =	stream.indirect.gather [hbm4b:s1+s6], $0x80, s9, s6, $0xb8;
	[tilespmem:$0x10200] =	vst v63  }
0x11: {  	s13 =	simm.s32 $0x1;
	s15 =	sshll.u32 s2, $0xE;
	s16 =	sshll.u32 s22, $0xD  }
0x12: {  	[tilespmem:s12], [sflag:$0x4] =	stream.indirect.gather [hbm4b:s1+s6], $0x80, s11, s6, $0xb8;
	[tilespmem:$0x10200] =	vst v63  }
0x13: {  	s15 =	sor.u32 s16, s15;
	_ =	swait.ge [sflag:s13], $0x4000  }
0x14: {  	s20 =	sadd.s32 s15, s14;
	[sflag:s13] =	ssyncset.done $0x0  }
0x15: {  	s15 =	simm.s32 $0x2;
	s14 =	sadd.s32 $0x1E00, s20;
	[sflag:s13] =	ssyncadd.s32 $0xFFFFC000  }
0x16: {  	[hbm4b:s14+s3] =	stream.linear.scatter [tilespmem:s7], [sflag:$0x5], $0x4000, $0x38;
	[tilespmem:$0x10200] =	vst v63  }
0x17: {  	_ =	swait.ge [sflag:s15], $0x4000  }
0x18: {  	[sflag:s15] =	ssyncset.done $0x0  }
0x19: {  	s17 =	simm.s32 $0x3;
	s16 =	sadd.s32 $0x2600, s20;
	[sflag:s15] =	ssyncadd.s32 $0xFFFFC000  }
0x1a: {  	[hbm4b:s16+s3] =	stream.linear.scatter [tilespmem:s8], [sflag:$0x5], $0x4000, $0x38;
	[tilespmem:$0x10200] =	vst v63  }
0x1b: {  	_ =	swait.ge [sflag:s17], $0x4000  }
0x1c: {  	[sflag:s17] =	ssyncset.done $0x0  }
0x1d: {  	s19 =	simm.s32 $0x4;
	s18 =	sadd.s32 $0x2E00, s20;
	[sflag:s17] =	ssyncadd.s32 $0xFFFFC000  }
0x1e: {  	[hbm4b:s18+s3] =	stream.linear.scatter [tilespmem:s10], [sflag:$0x5], $0x4000, $0x38;
	[tilespmem:$0x10200] =	vst v63  }
0x1f: {  	_ =	swait.ge [sflag:s19], $0x4000  }
0x20: {  	[sflag:s19] =	ssyncset.done $0x0  }
0x21: {  	s21 =	sadd.s32 $0x3600, s20;
	s20 =	simm.s32 $0x5;
	[sflag:s19] =	ssyncadd.s32 $0xFFFFC000  }
0x22: {  	[hbm4b:s21+s3] =	stream.linear.scatter [tilespmem:s12], [sflag:$0x5], $0x4000, $0x38;
	[tilespmem:$0x10200] =	vst v63  }
0x23: {  	_ =	swait.ge [sflag:s20], $0x4000  }
0x24: {  	s22 =	ssub.s32 $0x2, s22;
	[sflag:s20] =	ssyncset.done $0x0  }
0x25: {  	s23 =	sshrl.u32 s22, $0x1;
	[sflag:s20] =	ssyncadd.s32 $0xFFFFC000  }
0x26: {  	s22 =	ssub.s32 s22, s23;
	_ =	swait.ge [sflag:s20], $0x4000  }
0x27: {  	s22 =	smax.u32 s22, $0x1;
	[sflag:s20] =	ssyncset.done $0x0  }
0x28: {  	p0 =	sne.s32 s22, $0x1;
	[sflag:s20] =	ssyncadd.s32 $0xFFFFC000  }
.Ltmp0:
0x29: {  	_ =	swait.ge [sflag:s20], $0x4000;
	(pc) =	sbr.rel @!p0 .LBB2_2-.Ltmp0, $4  }
0x2a: {  	[sflag:s20] =	ssyncset.done $0x0  }
0x2b: {  	[sflag:s20] =	ssyncadd.s32 $0xFFFFC000  }
0x2c: {  	_ =	swait.ge [sflag:s20], $0x4000  }
0x2d: {  	s22 =	sadd.s32 $0xFFFFFFFF, s22;
	[sflag:s20] =	ssyncset.done $0x0  }
.LBB2_1:
0x2e: {  	p0 =	sne.s32 s22, $0x1;
	s22 =	sadd.s32 $0xFFFFFFFF, s22;
	[sflag:s20] =	ssyncadd.s32 $0xFFFFC000  }
0x2f: {  	[tilespmem:s3], [sflag:$0x6] =	stream.linear.gather [hbm4b:s4+s3], $0x200, $0x38;
	[tilespmem:$0x10200] =	vst v63  }
0x30: {  	_ =	swait.ge [sflag:s5], $0x200  }
0x31: {  	[sflag:s5] =	ssyncset.done $0x0  }
0x32: {  	[sflag:s5] =	ssyncadd.s32 $0xFFFFFE00  }
0x33: {  	[tilespmem:s7], [sflag:$0x1] =	stream.indirect.gather [hbm4b:s1+s6], $0x80, s3, s6, $0xb8;
	[tilespmem:$0x10200] =	vst v63  }
0x34: {  	_ = 	snop  }
0x35: {  	[tilespmem:s8], [sflag:$0x2] =	stream.indirect.gather [hbm4b:s1+s6], $0x80, s6, s6, $0xb8;
	[tilespmem:$0x10200] =	vst v63  }
0x36: {  	_ = 	snop  }
0x37: {  	[tilespmem:s10], [sflag:$0x3] =	stream.indirect.gather [hbm4b:s1+s6], $0x80, s9, s6, $0xb8;
	[tilespmem:$0x10200] =	vst v63  }
0x38: {  	_ = 	snop  }
0x39: {  	[tilespmem:s12], [sflag:$0x4] =	stream.indirect.gather [hbm4b:s1+s6], $0x80, s11, s6, $0xb8;
	[tilespmem:$0x10200] =	vst v63  }
0x3a: {  	_ =	swait.ge [sflag:s13], $0x4000  }
0x3b: {  	[sflag:s13] =	ssyncset.done $0x0  }
0x3c: {  	[sflag:s13] =	ssyncadd.s32 $0xFFFFC000  }
0x3d: {  	[hbm4b:s14+s3] =	stream.linear.scatter [tilespmem:s7], [sflag:$0x5], $0x4000, $0x38;
	[tilespmem:$0x10200] =	vst v63  }
0x3e: {  	_ =	swait.ge [sflag:s15], $0x4000  }
0x3f: {  	[sflag:s15] =	ssyncset.done $0x0  }
0x40: {  	[sflag:s15] =	ssyncadd.s32 $0xFFFFC000  }
0x41: {  	[hbm4b:s16+s3] =	stream.linear.scatter [tilespmem:s8], [sflag:$0x5], $0x4000, $0x38;
	[tilespmem:$0x10200] =	vst v63  }
0x42: {  	_ =	swait.ge [sflag:s17], $0x4000  }
0x43: {  	[sflag:s17] =	ssyncset.done $0x0  }
0x44: {  	[sflag:s17] =	ssyncadd.s32 $0xFFFFC000  }
0x45: {  	[hbm4b:s18+s3] =	stream.linear.scatter [tilespmem:s10], [sflag:$0x5], $0x4000, $0x38;
	[tilespmem:$0x10200] =	vst v63  }
0x46: {  	_ =	swait.ge [sflag:s19], $0x4000  }
0x47: {  	[sflag:s19] =	ssyncset.done $0x0  }
0x48: {  	[sflag:s19] =	ssyncadd.s32 $0xFFFFC000  }
0x49: {  	[hbm4b:s21+s3] =	stream.linear.scatter [tilespmem:s12], [sflag:$0x5], $0x4000, $0x38;
	[tilespmem:$0x10200] =	vst v63  }
0x4a: {  	_ =	swait.ge [sflag:s20], $0x4000  }
0x4b: {  	[sflag:s20] =	ssyncset.done $0x0  }
0x4c: {  	[sflag:s20] =	ssyncadd.s32 $0xFFFFC000  }
0x4d: {  	_ =	swait.ge [sflag:s20], $0x4000  }
0x4e: {  	[sflag:s20] =	ssyncset.done $0x0  }
0x4f: {  	[sflag:s20] =	ssyncadd.s32 $0xFFFFC000  }
.Ltmp1:
0x50: {  	_ =	swait.ge [sflag:s20], $0x4000;
	(pc) =	sbr.rel @p0 .LBB2_1-.Ltmp1, $4  }
0x51: {  	[sflag:s20] =	ssyncset.done $0x0  }
0x52: {  	[sflag:s20] =	ssyncadd.s32 $0xFFFFC000  }
0x53: {  	_ =	swait.ge [sflag:s20], $0x4000  }
0x54: {  	[sflag:s20] =	ssyncset.done $0x0  }
.LBB2_2:
0x55: {  	[sflag:s20] =	ssyncadd.s32 $0xFFFFC000  }
0x56: {  	_ =	sfence.sel $0x180000  }
0x57: {  	[bflag:$0x0] =	sbarrier.arrive $0xFFFF  }
0x58: {  	p0 =	sne.s32 s2, $0x0;
	_ =	strace $0x90000047  }
0x59: {  	s0 =	sadd.s32 @!p0 $0x100000, s0;
	[bflag:$0x2] =	sbarrier.arrive $0xFFFF  }
0x5a: {  	[sflag:s0] =	ssyncadd.tile.s32 @!p0 $0x1;
	_ =	shalt  }
.Lfunc_end2:
_tile_overlayer_lowered:
.L_overlay_start_2:
0x5b: {  	(tag) =	ssettag $0x2  }
0x5c: {  	s0 =	rddreg [dreg:$0x0];
	s2 =	stileid.u32  }
0x5d: {  	s1 =	rddreg [dreg:$0x1];
	p0 =	sne.s32 s2, $0x0  }
0x5e: {  	s3 =	rddreg [dreg:$0x2];
	[bflag:$0x3] =	sbarrier.arrive $0xFFFF;
	s2 =	simm.s32 @!p0 $0x1C06  }
0x5f: {  	[timem:s3], [sflag:s2] =	dma.local @!p0 [hbm:s0], s1  }
0x60: {  	s0 =	simm.s32 @!p0 $0x6  }
0x61: {  	_ =	swait.ge @!p0 [sflag:s0], s1  }
0x62: {  	s1 =	ssub.s32 @!p0 $0x0, s1;
	[sflag:s0] =	ssyncset.done @!p0 $0x0  }
0x63: {  	[sflag:s0] =	ssyncadd.s32 @!p0 s1  }
0x64: {  	[bflag:$0x3] =	sbarrier.arrive $0xFFFF  }
0x65: {  	_ =	shalt  }

</sc_bundles>
